<compile_context>
chip_gen: v7x
topology: tpu7x:2x2x1
jax: 0.10.2.dev20260603
libtpu: 0.0.44.dev20260713+nightly
codegen_flags: <defaults>
</compile_context>

<pallas_src>
import functools

import jax
import jax.numpy as jnp
from jax import lax
from jax.experimental import pallas as pl
from jax.experimental.pallas import tpu as pltpu
from jax.experimental.pallas import tpu_sc as plsc

_B = 16384
_H = 50
_V = 1000
_D = 128

_NC = 2
_NS = 16
_NW = _NC * _NS
_BPT = _B // _NW
_CR = 256
_NCH = _H * 2


def _transform_body(e_ref, w_ref, b_ref, t_ref):
    prod = lax.dot_general(
        e_ref[...], w_ref[...], (((1,), (1,)), ((), ())),
        preferred_element_type=jnp.float32,
        precision=lax.Precision.HIGHEST)
    t_ref[...] = jnp.maximum(prod + b_ref[...], 0.0)


def _transform_table(emb_table, W, b):
    return pl.pallas_call(
        _transform_body,
        out_shape=jax.ShapeDtypeStruct((_V, _D), jnp.float32),
    )(emb_table, W, b.reshape(1, _D))


def _gather_body(table_hbm, idx_hbm, out_hbm, tbl_sh, idx_v, stga, stgb,
                 isem, ga, gb, oa, ob):
    wid = lax.axis_index("s") * _NC + lax.axis_index("c")
    b0 = wid * _BPT
    @pl.when(lax.axis_index("s") == 0)
    def _():
        pltpu.sync_copy(table_hbm, tbl_sh)

    def idx_dma(h):
        return pltpu.make_async_copy(
            idx_hbm.at[h, pl.ds(b0, _BPT)],
            idx_v.at[pl.ds(h * _BPT, _BPT)], isem)

    def fire_idx(h, carry):
        idx_dma(h).start()
        return carry

    def drain_idx(h, carry):
        idx_dma(h).wait()
        return carry

    lax.fori_loop(0, _H, fire_idx, 0)
    lax.fori_loop(0, _H, drain_idx, 0)
    plsc.subcore_barrier()

    def gather(h, half, stg, sem):
        h = jnp.minimum(h, _H - 1)
        return pltpu.make_async_copy(
            tbl_sh.at[idx_v.at[pl.ds(h * (2 * _CR) + half * _CR, _CR)]],
            stg, sem)

    def out_copy(h, half, stg, sem):
        return pltpu.make_async_copy(
            stg, out_hbm.at[h, pl.ds(b0 + half * _CR, _CR), :], sem)

    gather(0, 0, stga, ga).start()

    def body(h, carry):
        gather(h, 0, stga, ga).wait()

        @pl.when(h > 0)
        def _():
            out_copy(h - 1, 1, stgb, ob).wait()

        gather(h, 1, stgb, gb).start()
        out_copy(h, 0, stga, oa).start()
        gather(h, 1, stgb, gb).wait()
        out_copy(h, 0, stga, oa).wait()
        gather(h + 1, 0, stga, ga).start()
        out_copy(h, 1, stgb, ob).start()
        return carry

    lax.fori_loop(0, _H, body, 0)
    out_copy(_H - 1, 1, stgb, ob).wait()
    gather(_H, 0, stga, ga).wait()


def _gather(table, idx_t):
    mesh = plsc.VectorSubcoreMesh(core_axis_name="c", subcore_axis_name="s")
    run = functools.partial(
        pl.kernel,
        mesh=mesh,
        compiler_params=pltpu.CompilerParams(needs_layout_passes=False),
        out_type=jax.ShapeDtypeStruct((_H, _B, _D), jnp.float32),
        scratch_types=[
            pltpu.VMEM_SHARED((_V, _D), jnp.float32),
            pltpu.VMEM((_H * _BPT,), jnp.int32),
            pltpu.VMEM((_CR, _D), jnp.float32),
            pltpu.VMEM((_CR, _D), jnp.float32),
            pltpu.SemaphoreType.DMA,
            pltpu.SemaphoreType.DMA,
            pltpu.SemaphoreType.DMA,
            pltpu.SemaphoreType.DMA,
            pltpu.SemaphoreType.DMA,
        ],
    )(_gather_body)
    return run(table, idx_t)


def kernel(industry_ids, emb_table, W, b):
    table = _transform_table(emb_table, W, b)
    idx_t = industry_ids.astype(jnp.int32).T
    out_t = _gather(table, idx_t)
    return jnp.transpose(out_t, (1, 0, 2))

# --- scband reference (transcript-rebuilt; emitter-appended) ---
"""Pipeline reference for scband-industry-embedding-27590869909994 (READ-ONLY COPY).

The authoritative reference and input builder live on the scoring server;
editing this copy changes nothing except your own understanding.
"""

import jax, jax.numpy as jnp
import numpy as np

NUM_INDUSTRIES = 1000
OUTPUT_DIM = 128
BATCH = 16384
HIST = 50

def setup_inputs(seed: int = 0) -> dict:
    key = jax.random.key(seed)
    k_idx, k_emb, k_w, k_b = jax.random.split(key, 4)
    industry_ids = jax.random.randint(k_idx, (BATCH, HIST), 0, NUM_INDUSTRIES, dtype=jnp.int64) if jax.config.jax_enable_x64 else jax.random.randint(k_idx, (BATCH, HIST), 0, NUM_INDUSTRIES, dtype=jnp.int32)
    emb_table = jax.random.normal(k_emb, (NUM_INDUSTRIES, OUTPUT_DIM), dtype=jnp.float32)
    # Linear(output_dim, output_dim): weight [out, in], bias [out]
    W = jax.random.normal(k_w, (OUTPUT_DIM, OUTPUT_DIM), dtype=jnp.float32) * (1.0 / np.sqrt(OUTPUT_DIM))
    b = jax.random.normal(k_b, (OUTPUT_DIM,), dtype=jnp.float32) * 0.01
    return {"industry_ids": industry_ids, "emb_table": emb_table, "W": W, "b": b}

def reference(industry_ids, emb_table, W, b):
    # embedding lookup (gather)
    industry_emb = jnp.take(emb_table, industry_ids, axis=0)  # [B, H, D]
    # Linear + ReLU; Dropout is identity in eval mode
    x = jnp.einsum('bhd,od->bho', industry_emb, W) + b
    industry_features = jax.nn.relu(x)
    return industry_features

if __name__ == "__main__":
    import jax
    _d = setup_inputs()
    print(jax.jit(kernel)(*tuple(_d.values())))

</pallas_src>

<mosaic_0001>
#map = affine_map<(d0, d1) -> (0, 0)>
#map1 = affine_map<(d0, d1) -> (0, 0, 0)>
module attributes {stable_mosaic.version = 14 : i64} {
  func.func @_gather_body(%arg0: i32, %arg1: i32, %arg2: memref<1000x128xf32, #tpu.memory_space<hbm>>, %arg3: memref<50x16384xi32, #tpu.memory_space<hbm>>, %arg4: memref<50x16384x128xf32, #tpu.memory_space<hbm>>, %arg5: memref<1000x128xf32, #tpu.memory_space<vmem_shared>>, %arg6: memref<25600xi32, #tpu.memory_space<vmem>>, %arg7: memref<256x128xf32, #tpu.memory_space<vmem>>, %arg8: memref<256x128xf32, #tpu.memory_space<vmem>>, %arg9: memref<!tpu.dma_semaphore, #tpu.memory_space<semaphore_mem>>, %arg10: memref<!tpu.dma_semaphore, #tpu.memory_space<semaphore_mem>>, %arg11: memref<!tpu.dma_semaphore, #tpu.memory_space<semaphore_mem>>, %arg12: memref<!tpu.dma_semaphore, #tpu.memory_space<semaphore_mem>>, %arg13: memref<!tpu.dma_semaphore, #tpu.memory_space<semaphore_mem>>) attributes {dimension_semantics = [#tpu.dimension_semantics<core_parallel>, #tpu.dimension_semantics<subcore_parallel>], iteration_bounds = array<i64: 2, 16>, scalar_prefetch = 0 : i64, scratch_operands = 9 : i64, tpu.core_type = #tpu.core_type<sc_vector_subcore>, window_params = [{transform_indices = #map}, {transform_indices = #map}, {transform_indices = #map1}]} {
    %mul3A = arith.constant 2 : i32
    %mul3A_0 = arith.muli %arg1, %mul3A : i32
    %add3A = arith.addi %mul3A_0, %arg0 : i32
    %mul3A_1 = arith.constant 512 : i32
    %mul3A_2 = arith.muli %add3A, %mul3A_1 : i32
    %eq3A = arith.constant 0 : i32
    %eq3A_3 = arith.cmpi eq, %arg1, %eq3A : i32
    %convert_element_type3A = arith.extui %eq3A_3 : i1 to i32
    %cond3A = arith.constant 0 : i32
    %cond3A_4 = arith.cmpi ne, %convert_element_type3A, %cond3A : i32
    scf.if %cond3A_4 {
      "tpu.region"() ({
        %run_scoped3A = tpu.sem_alloc : memref<!tpu.dma_semaphore, #tpu.memory_space<semaphore_mem>>
        tpu.enqueue_dma source(%arg2 : memref<1000x128xf32, #tpu.memory_space<hbm>>) target(%arg5 : memref<1000x128xf32, #tpu.memory_space<vmem_shared>>) target_semaphore(%run_scoped3A : memref<!tpu.dma_semaphore, #tpu.memory_space<semaphore_mem>>)
        tpu.wait_dma2 semaphore(%run_scoped3A : memref<!tpu.dma_semaphore, #tpu.memory_space<semaphore_mem>>) src(%arg2 : memref<1000x128xf32, #tpu.memory_space<hbm>>) dst(%arg5 : memref<1000x128xf32, #tpu.memory_space<vmem_shared>>)
        tpu.yield
      }) : () -> ()
    } else {
    }
    %scan3A = arith.constant 0 : i32
    %scan3A_5 = arith.constant 0 : i32
    %scan3A_6 = arith.constant 50 : i32
    %scan3A_7 = arith.addi %scan3A_5, %scan3A_6 : i32
    %scan3A_8 = arith.constant 1 : i32
    scf.for %scan3A_50 = %scan3A_5 to %scan3A_7 step %scan3A_8  : i32 {
      %mul3A_51 = arith.constant 512 : i32
      %mul3A_52 = arith.muli %scan3A_50, %mul3A_51 : i32
      %dma_start3A_53 = tpu.memref_slice %arg6[%mul3A_52] : memref<25600xi32, #tpu.memory_space<vmem>> -> memref<512xi32, #tpu.memory_space<vmem>>
      %dma_start3A_54 = tpu.memref_slice %arg3[%scan3A_50, %mul3A_2] : memref<50x16384xi32, #tpu.memory_space<hbm>> -> memref<1x512xi32, #tpu.memory_space<hbm>>
      %dma_start3A_55 = tpu.memref_squeeze %dma_start3A_54 : memref<1x512xi32, #tpu.memory_space<hbm>> -> memref<512xi32, #tpu.memory_space<hbm>>
      %dma_start3A_56 = tpu.memref_slice %arg6[%mul3A_52] : memref<25600xi32, #tpu.memory_space<vmem>> -> memref<512xi32, #tpu.memory_space<vmem>>
      %dma_start3A_57 = tpu.memref_slice %arg3[%scan3A_50, %mul3A_2] : memref<50x16384xi32, #tpu.memory_space<hbm>> -> memref<1x512xi32, #tpu.memory_space<hbm>>
      %dma_start3A_58 = tpu.memref_squeeze %dma_start3A_57 : memref<1x512xi32, #tpu.memory_space<hbm>> -> memref<512xi32, #tpu.memory_space<hbm>>
      tpu.enqueue_dma source(%dma_start3A_58 : memref<512xi32, #tpu.memory_space<hbm>>) target(%dma_start3A_56 : memref<512xi32, #tpu.memory_space<vmem>>) target_semaphore(%arg9 : memref<!tpu.dma_semaphore, #tpu.memory_space<semaphore_mem>>)
    }
    %scan3A_9 = arith.constant 50 : i32
    %scan3A_10 = arith.constant 0 : i32
    %scan3A_11 = arith.constant 0 : i32
    %scan3A_12 = arith.constant 50 : i32
    %scan3A_13 = arith.addi %scan3A_11, %scan3A_12 : i32
    %scan3A_14 = arith.constant 1 : i32
    scf.for %scan3A_50 = %scan3A_11 to %scan3A_13 step %scan3A_14  : i32 {
      %mul3A_51 = arith.constant 512 : i32
      %mul3A_52 = arith.muli %scan3A_50, %mul3A_51 : i32
      %dma_wait3A_53 = tpu.memref_slice %arg6[%mul3A_52] : memref<25600xi32, #tpu.memory_space<vmem>> -> memref<512xi32, #tpu.memory_space<vmem>>
      %dma_wait3A_54 = tpu.memref_slice %arg3[%scan3A_50, %mul3A_2] : memref<50x16384xi32, #tpu.memory_space<hbm>> -> memref<1x512xi32, #tpu.memory_space<hbm>>
      %dma_wait3A_55 = tpu.memref_squeeze %dma_wait3A_54 : memref<1x512xi32, #tpu.memory_space<hbm>> -> memref<512xi32, #tpu.memory_space<hbm>>
      %dma_wait3A_56 = tpu.memref_slice %arg6[%mul3A_52] : memref<25600xi32, #tpu.memory_space<vmem>> -> memref<512xi32, #tpu.memory_space<vmem>>
      %dma_wait3A_57 = tpu.memref_slice %arg3[%scan3A_50, %mul3A_2] : memref<50x16384xi32, #tpu.memory_space<hbm>> -> memref<1x512xi32, #tpu.memory_space<hbm>>
      %dma_wait3A_58 = tpu.memref_squeeze %dma_wait3A_57 : memref<1x512xi32, #tpu.memory_space<hbm>> -> memref<512xi32, #tpu.memory_space<hbm>>
      tpu.wait_dma2 semaphore(%arg9 : memref<!tpu.dma_semaphore, #tpu.memory_space<semaphore_mem>>) src(%dma_wait3A_58 : memref<512xi32, #tpu.memory_space<hbm>>) dst(%dma_wait3A_56 : memref<512xi32, #tpu.memory_space<vmem>>)
    }
    %scan3A_15 = arith.constant 50 : i32
    %barrier3A = arith.constant 0 : index
    tpu.barrier barrier_id(%barrier3A)
    %min3A = arith.constant 0 : i32
    %min3A_16 = arith.constant 49 : i32
    %min3A_17 = arith.minsi %min3A, %min3A_16 : i32
    %mul3A_18 = arith.constant 512 : i32
    %mul3A_19 = arith.muli %min3A_17, %mul3A_18 : i32
    %add3A_20 = arith.constant 0 : i32
    %add3A_21 = arith.addi %mul3A_19, %add3A_20 : i32
    %dma_start3A = tpu.memref_slice %arg6[%add3A_21] : memref<25600xi32, #tpu.memory_space<vmem>> -> memref<256xi32, #tpu.memory_space<vmem>>
    %dma_start3A_22 = arith.constant 0 : i32
    %dma_start3A_23 = arith.constant 0 : i32
    %dma_start3A_24 = tpu.memref_slice %arg5[%dma_start3A_22, %dma_start3A_23] : memref<1000x128xf32, #tpu.memory_space<vmem_shared>> -> memref<1000x128xf32, #tpu.memory_space<vmem_shared>>
    tpu.enqueue_indirect_dma source(%dma_start3A_24 : memref<1000x128xf32, #tpu.memory_space<vmem_shared>>) target(%arg7 : memref<256x128xf32, #tpu.memory_space<vmem>>) offsets(%dma_start3A : memref<256xi32, #tpu.memory_space<vmem>>) semaphore(%arg10 : memref<!tpu.dma_semaphore, #tpu.memory_space<semaphore_mem>>)
    %scan3A_25 = arith.constant 0 : i32
    %scan3A_26 = arith.constant 0 : i32
    %scan3A_27 = arith.constant 50 : i32
    %scan3A_28 = arith.addi %scan3A_26, %scan3A_27 : i32
    %scan3A_29 = arith.constant 1 : i32
    scf.for %scan3A_50 = %scan3A_26 to %scan3A_28 step %scan3A_29  : i32 {
      %min3A_51 = arith.constant 49 : i32
      %min3A_52 = arith.minsi %scan3A_50, %min3A_51 : i32
      %mul3A_53 = arith.constant 512 : i32
      %mul3A_54 = arith.muli %min3A_52, %mul3A_53 : i32
      %add3A_55 = arith.constant 0 : i32
      %add3A_56 = arith.addi %mul3A_54, %add3A_55 : i32
      %dma_wait3A_57 = tpu.memref_slice %arg6[%add3A_56] : memref<25600xi32, #tpu.memory_space<vmem>> -> memref<256xi32, #tpu.memory_space<vmem>>
      %dma_wait3A_58 = arith.constant 0 : i32
      %dma_wait3A_59 = arith.constant 0 : i32
      %dma_wait3A_60 = tpu.memref_slice %arg5[%dma_wait3A_58, %dma_wait3A_59] : memref<1000x128xf32, #tpu.memory_space<vmem_shared>> -> memref<1000x128xf32, #tpu.memory_space<vmem_shared>>
      tpu.wait_indirect_dma semaphore(%arg10 : memref<!tpu.dma_semaphore, #tpu.memory_space<semaphore_mem>>) src(%dma_wait3A_60 : memref<1000x128xf32, #tpu.memory_space<vmem_shared>>) dst(%arg7 : memref<256x128xf32, #tpu.memory_space<vmem>>)
      %gt3A = arith.constant 0 : i32
      %gt3A_61 = arith.cmpi sgt, %scan3A_50, %gt3A : i32
      %convert_element_type3A_62 = arith.extui %gt3A_61 : i1 to i32
      %cond3A_63 = arith.constant 0 : i32
      %cond3A_64 = arith.cmpi ne, %convert_element_type3A_62, %cond3A_63 : i32
      scf.if %cond3A_64 {
        %sub3A = arith.constant 1 : i32
        %sub3A_121 = arith.subi %scan3A_50, %sub3A : i32
        %add3A_122 = arith.constant 256 : i32
        %add3A_123 = arith.addi %mul3A_2, %add3A_122 : i32
        %dma_wait3A_124 = arith.constant 0 : i32
        %dma_wait3A_125 = tpu.memref_slice %arg4[%sub3A_121, %add3A_123, %dma_wait3A_124] : memref<50x16384x128xf32, #tpu.memory_space<hbm>> -> memref<1x256x128xf32, #tpu.memory_space<hbm>>
        %dma_wait3A_126 = tpu.memref_squeeze %dma_wait3A_125 : memref<1x256x128xf32, #tpu.memory_space<hbm>> -> memref<256x128xf32, #tpu.memory_space<hbm>>
        %dma_wait3A_127 = arith.constant 0 : i32
        %dma_wait3A_128 = tpu.memref_slice %arg4[%sub3A_121, %add3A_123, %dma_wait3A_127] : memref<50x16384x128xf32, #tpu.memory_space<hbm>> -> memref<1x256x128xf32, #tpu.memory_space<hbm>>
        %dma_wait3A_129 = tpu.memref_squeeze %dma_wait3A_128 : memref<1x256x128xf32, #tpu.memory_space<hbm>> -> memref<256x128xf32, #tpu.memory_space<hbm>>
        tpu.wait_dma2 semaphore(%arg13 : memref<!tpu.dma_semaphore, #tpu.memory_space<semaphore_mem>>) src(%arg8 : memref<256x128xf32, #tpu.memory_space<vmem>>) dst(%dma_wait3A_129 : memref<256x128xf32, #tpu.memory_space<hbm>>)
      } else {
      }
      %min3A_65 = arith.constant 49 : i32
      %min3A_66 = arith.minsi %scan3A_50, %min3A_65 : i32
      %mul3A_67 = arith.constant 512 : i32
      %mul3A_68 = arith.muli %min3A_66, %mul3A_67 : i32
      %add3A_69 = arith.constant 256 : i32
      %add3A_70 = arith.addi %mul3A_68, %add3A_69 : i32
      %dma_start3A_71 = tpu.memref_slice %arg6[%add3A_70] : memref<25600xi32, #tpu.memory_space<vmem>> -> memref<256xi32, #tpu.memory_space<vmem>>
      %dma_start3A_72 = arith.constant 0 : i32
      %dma_start3A_73 = arith.constant 0 : i32
      %dma_start3A_74 = tpu.memref_slice %arg5[%dma_start3A_72, %dma_start3A_73] : memref<1000x128xf32, #tpu.memory_space<vmem_shared>> -> memref<1000x128xf32, #tpu.memory_space<vmem_shared>>
      tpu.enqueue_indirect_dma source(%dma_start3A_74 : memref<1000x128xf32, #tpu.memory_space<vmem_shared>>) target(%arg8 : memref<256x128xf32, #tpu.memory_space<vmem>>) offsets(%dma_start3A_71 : memref<256xi32, #tpu.memory_space<vmem>>) semaphore(%arg11 : memref<!tpu.dma_semaphore, #tpu.memory_space<semaphore_mem>>)
      %add3A_75 = arith.constant 0 : i32
      %add3A_76 = arith.addi %mul3A_2, %add3A_75 : i32
      %dma_start3A_77 = arith.constant 0 : i32
      %dma_start3A_78 = tpu.memref_slice %arg4[%scan3A_50, %add3A_76, %dma_start3A_77] : memref<50x16384x128xf32, #tpu.memory_space<hbm>> -> memref<1x256x128xf32, #tpu.memory_space<hbm>>
      %dma_start3A_79 = tpu.memref_squeeze %dma_start3A_78 : memref<1x256x128xf32, #tpu.memory_space<hbm>> -> memref<256x128xf32, #tpu.memory_space<hbm>>
      %dma_start3A_80 = arith.constant 0 : i32
      %dma_start3A_81 = tpu.memref_slice %arg4[%scan3A_50, %add3A_76, %dma_start3A_80] : memref<50x16384x128xf32, #tpu.memory_space<hbm>> -> memref<1x256x128xf32, #tpu.memory_space<hbm>>
      %dma_start3A_82 = tpu.memref_squeeze %dma_start3A_81 : memref<1x256x128xf32, #tpu.memory_space<hbm>> -> memref<256x128xf32, #tpu.memory_space<hbm>>
      tpu.enqueue_dma source(%arg7 : memref<256x128xf32, #tpu.memory_space<vmem>>) target(%dma_start3A_82 : memref<256x128xf32, #tpu.memory_space<hbm>>) target_semaphore(%arg12 : memref<!tpu.dma_semaphore, #tpu.memory_space<semaphore_mem>>)
      %min3A_83 = arith.constant 49 : i32
      %min3A_84 = arith.minsi %scan3A_50, %min3A_83 : i32
      %mul3A_85 = arith.constant 512 : i32
      %mul3A_86 = arith.muli %min3A_84, %mul3A_85 : i32
      %add3A_87 = arith.constant 256 : i32
      %add3A_88 = arith.addi %mul3A_86, %add3A_87 : i32
      %dma_wait3A_89 = tpu.memref_slice %arg6[%add3A_88] : memref<25600xi32, #tpu.memory_space<vmem>> -> memref<256xi32, #tpu.memory_space<vmem>>
      %dma_wait3A_90 = arith.constant 0 : i32
      %dma_wait3A_91 = arith.constant 0 : i32
      %dma_wait3A_92 = tpu.memref_slice %arg5[%dma_wait3A_90, %dma_wait3A_91] : memref<1000x128xf32, #tpu.memory_space<vmem_shared>> -> memref<1000x128xf32, #tpu.memory_space<vmem_shared>>
      tpu.wait_indirect_dma semaphore(%arg11 : memref<!tpu.dma_semaphore, #tpu.memory_space<semaphore_mem>>) src(%dma_wait3A_92 : memref<1000x128xf32, #tpu.memory_space<vmem_shared>>) dst(%arg8 : memref<256x128xf32, #tpu.memory_space<vmem>>)
      %add3A_93 = arith.constant 0 : i32
      %add3A_94 = arith.addi %mul3A_2, %add3A_93 : i32
      %dma_wait3A_95 = arith.constant 0 : i32
      %dma_wait3A_96 = tpu.memref_slice %arg4[%scan3A_50, %add3A_94, %dma_wait3A_95] : memref<50x16384x128xf32, #tpu.memory_space<hbm>> -> memref<1x256x128xf32, #tpu.memory_space<hbm>>
      %dma_wait3A_97 = tpu.memref_squeeze %dma_wait3A_96 : memref<1x256x128xf32, #tpu.memory_space<hbm>> -> memref<256x128xf32, #tpu.memory_space<hbm>>
      %dma_wait3A_98 = arith.constant 0 : i32
      %dma_wait3A_99 = tpu.memref_slice %arg4[%scan3A_50, %add3A_94, %dma_wait3A_98] : memref<50x16384x128xf32, #tpu.memory_space<hbm>> -> memref<1x256x128xf32, #tpu.memory_space<hbm>>
      %dma_wait3A_100 = tpu.memref_squeeze %dma_wait3A_99 : memref<1x256x128xf32, #tpu.memory_space<hbm>> -> memref<256x128xf32, #tpu.memory_space<hbm>>
      tpu.wait_dma2 semaphore(%arg12 : memref<!tpu.dma_semaphore, #tpu.memory_space<semaphore_mem>>) src(%arg7 : memref<256x128xf32, #tpu.memory_space<vmem>>) dst(%dma_wait3A_100 : memref<256x128xf32, #tpu.memory_space<hbm>>)
      %add3A_101 = arith.constant 1 : i32
      %add3A_102 = arith.addi %scan3A_50, %add3A_101 : i32
      %min3A_103 = arith.constant 49 : i32
      %min3A_104 = arith.minsi %add3A_102, %min3A_103 : i32
      %mul3A_105 = arith.constant 512 : i32
      %mul3A_106 = arith.muli %min3A_104, %mul3A_105 : i32
      %add3A_107 = arith.constant 0 : i32
      %add3A_108 = arith.addi %mul3A_106, %add3A_107 : i32
      %dma_start3A_109 = tpu.memref_slice %arg6[%add3A_108] : memref<25600xi32, #tpu.memory_space<vmem>> -> memref<256xi32, #tpu.memory_space<vmem>>
      %dma_start3A_110 = arith.constant 0 : i32
      %dma_start3A_111 = arith.constant 0 : i32
      %dma_start3A_112 = tpu.memref_slice %arg5[%dma_start3A_110, %dma_start3A_111] : memref<1000x128xf32, #tpu.memory_space<vmem_shared>> -> memref<1000x128xf32, #tpu.memory_space<vmem_shared>>
      tpu.enqueue_indirect_dma source(%dma_start3A_112 : memref<1000x128xf32, #tpu.memory_space<vmem_shared>>) target(%arg7 : memref<256x128xf32, #tpu.memory_space<vmem>>) offsets(%dma_start3A_109 : memref<256xi32, #tpu.memory_space<vmem>>) semaphore(%arg10 : memref<!tpu.dma_semaphore, #tpu.memory_space<semaphore_mem>>)
      %add3A_113 = arith.constant 256 : i32
      %add3A_114 = arith.addi %mul3A_2, %add3A_113 : i32
      %dma_start3A_115 = arith.constant 0 : i32
      %dma_start3A_116 = tpu.memref_slice %arg4[%scan3A_50, %add3A_114, %dma_start3A_115] : memref<50x16384x128xf32, #tpu.memory_space<hbm>> -> memref<1x256x128xf32, #tpu.memory_space<hbm>>
      %dma_start3A_117 = tpu.memref_squeeze %dma_start3A_116 : memref<1x256x128xf32, #tpu.memory_space<hbm>> -> memref<256x128xf32, #tpu.memory_space<hbm>>
      %dma_start3A_118 = arith.constant 0 : i32
      %dma_start3A_119 = tpu.memref_slice %arg4[%scan3A_50, %add3A_114, %dma_start3A_118] : memref<50x16384x128xf32, #tpu.memory_space<hbm>> -> memref<1x256x128xf32, #tpu.memory_space<hbm>>
      %dma_start3A_120 = tpu.memref_squeeze %dma_start3A_119 : memref<1x256x128xf32, #tpu.memory_space<hbm>> -> memref<256x128xf32, #tpu.memory_space<hbm>>
      tpu.enqueue_dma source(%arg8 : memref<256x128xf32, #tpu.memory_space<vmem>>) target(%dma_start3A_120 : memref<256x128xf32, #tpu.memory_space<hbm>>) target_semaphore(%arg13 : memref<!tpu.dma_semaphore, #tpu.memory_space<semaphore_mem>>)
    }
    %scan3A_30 = arith.constant 50 : i32
    %add3A_31 = arith.constant 256 : i32
    %add3A_32 = arith.addi %mul3A_2, %add3A_31 : i32
    %dma_wait3A = arith.constant 49 : i32
    %dma_wait3A_33 = arith.constant 0 : i32
    %dma_wait3A_34 = tpu.memref_slice %arg4[%dma_wait3A, %add3A_32, %dma_wait3A_33] : memref<50x16384x128xf32, #tpu.memory_space<hbm>> -> memref<1x256x128xf32, #tpu.memory_space<hbm>>
    %dma_wait3A_35 = tpu.memref_squeeze %dma_wait3A_34 : memref<1x256x128xf32, #tpu.memory_space<hbm>> -> memref<256x128xf32, #tpu.memory_space<hbm>>
    %dma_wait3A_36 = arith.constant 0 : i32
    %dma_wait3A_37 = tpu.memref_slice %arg4[%dma_wait3A, %add3A_32, %dma_wait3A_36] : memref<50x16384x128xf32, #tpu.memory_space<hbm>> -> memref<1x256x128xf32, #tpu.memory_space<hbm>>
    %dma_wait3A_38 = tpu.memref_squeeze %dma_wait3A_37 : memref<1x256x128xf32, #tpu.memory_space<hbm>> -> memref<256x128xf32, #tpu.memory_space<hbm>>
    tpu.wait_dma2 semaphore(%arg13 : memref<!tpu.dma_semaphore, #tpu.memory_space<semaphore_mem>>) src(%arg8 : memref<256x128xf32, #tpu.memory_space<vmem>>) dst(%dma_wait3A_38 : memref<256x128xf32, #tpu.memory_space<hbm>>)
    %min3A_39 = arith.constant 50 : i32
    %min3A_40 = arith.constant 49 : i32
    %min3A_41 = arith.minsi %min3A_39, %min3A_40 : i32
    %mul3A_42 = arith.constant 512 : i32
    %mul3A_43 = arith.muli %min3A_41, %mul3A_42 : i32
    %add3A_44 = arith.constant 0 : i32
    %add3A_45 = arith.addi %mul3A_43, %add3A_44 : i32
    %dma_wait3A_46 = tpu.memref_slice %arg6[%add3A_45] : memref<25600xi32, #tpu.memory_space<vmem>> -> memref<256xi32, #tpu.memory_space<vmem>>
    %dma_wait3A_47 = arith.constant 0 : i32
    %dma_wait3A_48 = arith.constant 0 : i32
    %dma_wait3A_49 = tpu.memref_slice %arg5[%dma_wait3A_47, %dma_wait3A_48] : memref<1000x128xf32, #tpu.memory_space<vmem_shared>> -> memref<1000x128xf32, #tpu.memory_space<vmem_shared>>
    tpu.wait_indirect_dma semaphore(%arg10 : memref<!tpu.dma_semaphore, #tpu.memory_space<semaphore_mem>>) src(%dma_wait3A_49 : memref<1000x128xf32, #tpu.memory_space<vmem_shared>>) dst(%arg7 : memref<256x128xf32, #tpu.memory_space<vmem>>)
    return
  }
}

module attributes {stable_mosaic.version = 14 : i64} {
  func.func @_transform_body(%arg0: memref<1000x128xf32, #tpu.memory_space<vmem>>, %arg1: memref<128x128xf32, #tpu.memory_space<vmem>>, %arg2: memref<1x128xf32, #tpu.memory_space<vmem>>, %arg3: memref<1000x128xf32, #tpu.memory_space<vmem>>) attributes {dimension_semantics = [], scalar_prefetch = 0 : i64, scratch_operands = 0 : i64, tpu.core_type = #tpu.core_type<tc>} {
    %get3A = arith.constant 0 : index
    %get3A_0 = arith.constant 0 : index
    %get3A_1 = vector.load %arg0[%get3A, %get3A_0] : memref<1000x128xf32, #tpu.memory_space<vmem>>, vector<1000x128xf32>
    %get3A_2 = arith.constant 0 : index
    %get3A_3 = arith.constant 0 : index
    %get3A_4 = vector.load %arg1[%get3A_2, %get3A_3] : memref<128x128xf32, #tpu.memory_space<vmem>>, vector<128x128xf32>
    %dot_general3A = arith.constant dense<0.000000e+00> : vector<1000x128xf32>
    %dot_general3A_5 = tpu.matmul %get3A_1, %get3A_4, %dot_general3A {dimension_numbers = #tpu.dot_dimension_numbers<[1], [1], [0], [0], [0, 0, 1, 0], [], []>, precision = #tpu.contract_precision<fp32>, transpose_lhs_hint = false} : vector<1000x128xf32>, vector<128x128xf32>, vector<1000x128xf32> -> vector<1000x128xf32>
    %get3A_6 = arith.constant 0 : index
    %get3A_7 = arith.constant 0 : index
    %get3A_8 = vector.load %arg2[%get3A_6, %get3A_7] : memref<1x128xf32, #tpu.memory_space<vmem>>, vector<1x128xf32>
    %add3A = vector.broadcast %get3A_8 : vector<1x128xf32> to vector<1000x128xf32>
    %add3A_9 = arith.addf %dot_general3A_5, %add3A : vector<1000x128xf32>
    %max3A = arith.constant 0.000000e+00 : f32
    %max3A_10 = vector.broadcast %max3A : f32 to vector<1000x128xf32>
    %max3A_11 = arith.maximumf %add3A_9, %max3A_10 : vector<1000x128xf32>
    %swap3A = arith.constant 0 : index
    %swap3A_12 = arith.constant 0 : index
    %swap3A_13 = vector.load %arg3[%swap3A, %swap3A_12] : memref<1000x128xf32, #tpu.memory_space<vmem>>, vector<1000x128xf32>
    tpu.vector_store %arg3[%swap3A, %swap3A_12], %max3A_11 {strides = array<i32>} : memref<1000x128xf32, #tpu.memory_space<vmem>>, vector<1000x128xf32>,
    return
  }
}

</mosaic_0001>

<sc_bundles>
// kernel: kernel.4.cloned.1.call-start
scs
__scs_entry_jumppad:
0x0: {  	(pc) =	sbr.rel $0x88, $3  }
0x1: {  	(tag) =	ssettag $0x0;
	lr =	simm.s32 $0x1  }
0x2: {  	[smem:$0x3F9D] =	sst lr;
	_ =	strace $0xD0000000  }
0x3: {  	_ = 	snop  }
0x4: {  	_ = 	snop  }
0x5: {  	_ = 	snop  }
0x6: {  	_ = 	snop  }
0x7: {  	_ = 	snop  }
__scs_overlays_trampoline_lowered:
0x8: {  	[smem:$0x3FAC] =	sst s0  }
0x9: {  	[smem:$0x3FAD] =	sst s1  }
0xa: {  	[smem:$0x3FAE] =	sst s2  }
0xb: {  	[smem:$0x3FAF] =	sst s3  }
0xc: {  	[smem:$0x3FB0] =	sst s4  }
0xd: {  	[smem:$0x3FB1] =	sst s5  }
0xe: {  	[smem:$0x3FB2] =	sst s6  }
0xf: {  	[smem:$0x3FB3] =	sst s7  }
0x10: {  	[smem:$0x3FB4] =	sst s8  }
0x11: {  	[smem:$0x3FB5] =	sst s9;
	s0 =	simm.s32 @!p0 $0x0  }
0x12: {  	s1 =	sld [smem:$0x3F9B];
	s0 =	simm.s32 @p0 $0x1  }
0x13: {  	[smem:$0x3FB6] =	sst s0;
	s0 =	simm.s32 @!p1 $0x0  }
0x14: {  	s2 =	sld [smem:$0x3F9A];
	s0 =	simm.s32 @p1 $0x1  }
0x15: {  	[smem:$0x3FB7] =	sst s0;
	s0 =	simm.s32 @!p2 $0x0  }
0x16: {  	s3 =	sld [smem:$0x3FDB];
	s0 =	simm.s32 @p2 $0x1  }
0x17: {  	s4 =	simm.s32 $0x1BF5;
	[smem:$0x3FB9] =	sst s0  }
0x18: {  	s0 =	sld [smem:$0x3F9C];
	_ =	swait.ge [sflag:s4], $0x0  }
0x19: {  	s7 =	sld [smem:$0x3F9D]  }
0x1a: {  	s8 =	sadd.s32 $0xFFFFE003, lr  }
0x1b: {  	s9 =	sadd.s32 $0xFFFFFEF7, lr;
	s5 =	simm.s32 $0xFFFFFFFF;
	p2 =	slt.u32 s8, $0xFFFFF086  }
0x1c: {  	p1 =	slt.u32 s9, $0xF7A;
	s5 =	simm.s32 @!p2 $0x0  }
0x1d: {  	s5 =	simm.s32 @p1 $0x1;
	p0 =	seq.s32 s7, s2  }
0x1e: {  	s7 =	smul.u32 @!p0 $0xF7A, s2;
	p2 =	seq.s32 @!p0 s5, $0x0  }
0x1f: {  	s9 =	smul.u32 $0xF7A, s1;
	s8 =	simm.s32 @!p0 $0x1BF5;
	p2 =	por !p2, p0  }
0x20: {  	[sflag:s8] =	ssyncset.s32 @!p0 $0xFFFFF086;
	s6 =	sadd.s32 @!p0 s3, s7;
	s7 =	simm.s32 @!p0 $0x108  }
0x21: {  	s3 =	sadd.s32 s3, s9;
	s6 =	sadd.s32 @!p0 $0x88, s6;
	s7 =	simm.s32 @p2 $0x1082  }
0x22: {  	[simem:s7], [sflag:s8] =	dma.local @!p0 [hbm:s6], $0xF7A  }
0x23: {  	s9 =	sor.u32 $0xD0000000, s2;
	s6 =	simm.s32 $0x108;
	_ =	swait.ge @!p0 [sflag:s8], $0x0  }
0x24: {  	s3 =	sadd.s32 $0x88, s3;
	s6 =	simm.s32 @!p1 $0x1082;
	[sflag:s4] =	ssyncset.s32 $0xFFFFF086  }
0x25: {  	[simem:s6], [sflag:s4] =	dma.local [hbm:s3], $0xF7A  }
0x26: {  	[smem:$0x3F9D] =	sst s1;
	(tag) =	ssettag s2;
	_ =	strace s9  }
0x27: {  	s1 =	sld [smem:$0x3FAD]  }
0x28: {  	s2 =	sld [smem:$0x3FAE]  }
0x29: {  	s4 =	sld [smem:$0x3FB0]  }
0x2a: {  	p0 =	seq.s32 s5, $0x0;
	s5 =	sld [smem:$0x3FB1]  }
0x2b: {  	s6 =	sld [smem:$0x3FB2]  }
0x2c: {  	s7 =	sld [smem:$0x3FB3]  }
0x2d: {  	s3 =	simm.s32 $0x108;
	s8 =	sld [smem:$0x3FB4]  }
0x2e: {  	s3 =	simm.s32 @!p0 $0x1082;
	s9 =	sld [smem:$0x3FB5]  }
0x2f: {  	lr =	sadd.s32 s0, s3;
	s0 =	sld [smem:$0x3FAC]  }
0x30: {  	s3 =	sld [smem:$0x3FAF]  }
0x31: {  	[smem:$0x3FB8] =	sst s10  }
0x32: {  	s10 =	sld [smem:$0x3FB6];
	_ =	sdelay $0x3  }
0x33: {  	p0 =	seq.s32 s10, $0x1;
	s10 =	sld [smem:$0x3FB8];
	_ =	sdelay $0x3  }
0x34: {  	[smem:$0x3FB8] =	sst s10  }
0x35: {  	s10 =	sld [smem:$0x3FB7];
	_ =	sdelay $0x3  }
0x36: {  	p1 =	seq.s32 s10, $0x1;
	s10 =	sld [smem:$0x3FB8];
	_ =	sdelay $0x3  }
0x37: {  	[smem:$0x3FB8] =	sst s10  }
0x38: {  	s10 =	sld [smem:$0x3FB9]  }
0x39: {  	_ = 	snop;
	(pc) =	sbr.ind lr, $3  }
0x3a: {  	_ = 	snop  }
0x3b: {  	_ = 	snop  }
0x3c: {  	p2 =	seq.s32 s10, $0x1;
	s10 =	sld [smem:$0x3FB8]  }
0x3d: {  	_ =	shalt  }
0x3e: {  	_ =	shalt  }
0x3f: {  	_ =	shalt  }
0x40: {  	_ =	shalt  }
0x41: {  	_ =	shalt  }
0x42: {  	_ =	shalt  }
0x43: {  	_ =	shalt  }
0x44: {  	_ =	shalt  }
0x45: {  	_ =	shalt  }
0x46: {  	_ =	shalt  }
0x47: {  	_ =	shalt  }
0x48: {  	_ =	shalt  }
0x49: {  	_ =	shalt  }
0x4a: {  	_ =	shalt  }
0x4b: {  	_ =	shalt  }
0x4c: {  	_ =	shalt  }
0x4d: {  	_ =	shalt  }
0x4e: {  	_ =	shalt  }
0x4f: {  	_ =	shalt  }
0x50: {  	_ =	shalt  }
0x51: {  	_ =	shalt  }
0x52: {  	_ =	shalt  }
0x53: {  	_ =	shalt  }
0x54: {  	_ =	shalt  }
0x55: {  	_ =	shalt  }
0x56: {  	_ =	shalt  }
0x57: {  	_ =	shalt  }
0x58: {  	_ =	shalt  }
0x59: {  	_ =	shalt  }
0x5a: {  	_ =	shalt  }
0x5b: {  	_ =	shalt  }
0x5c: {  	_ =	shalt  }
0x5d: {  	_ =	shalt  }
0x5e: {  	_ =	shalt  }
0x5f: {  	_ =	shalt  }
0x60: {  	_ =	shalt  }
0x61: {  	_ =	shalt  }
0x62: {  	_ =	shalt  }
0x63: {  	_ =	shalt  }
0x64: {  	_ =	shalt  }
0x65: {  	_ =	shalt  }
0x66: {  	_ =	shalt  }
0x67: {  	_ =	shalt  }
0x68: {  	_ =	shalt  }
0x69: {  	_ =	shalt  }
0x6a: {  	_ =	shalt  }
0x6b: {  	_ =	shalt  }
0x6c: {  	_ =	shalt  }
0x6d: {  	_ =	shalt  }
0x6e: {  	_ =	shalt  }
0x6f: {  	_ =	shalt  }
0x70: {  	_ =	shalt  }
0x71: {  	_ =	shalt  }
0x72: {  	_ =	shalt  }
0x73: {  	_ =	shalt  }
0x74: {  	_ =	shalt  }
0x75: {  	_ =	shalt  }
0x76: {  	_ =	shalt  }
0x77: {  	_ =	shalt  }
0x78: {  	_ =	shalt  }
0x79: {  	_ =	shalt  }
0x7a: {  	_ =	shalt  }
0x7b: {  	_ =	shalt  }
0x7c: {  	_ =	shalt  }
0x7d: {  	_ =	shalt  }
0x7e: {  	_ =	shalt  }
0x7f: {  	_ =	shalt  }
0x80: {  	_ =	shalt  }
0x81: {  	_ =	shalt  }
0x82: {  	_ =	shalt  }
0x83: {  	_ =	shalt  }
0x84: {  	_ =	shalt  }
0x85: {  	_ =	shalt  }
0x86: {  	_ =	shalt  }
0x87: {  	_ =	shalt  }
.Lfunc_end0:
.L_simem_size_0:
called_computation_lowered:
.L_overlay_start_0:
0x88: {  	s2 =	sld [smem:$0x3FD9]  }
0x89: {  	s3 =	sld [smem:$0x3FFE];
	_ =	sdelay $0x1  }
0x8a: {  	s1 =	srdreg.scid  }
0x8b: {  	s0 =	sand.u32 $0x1, s1  }
0x8c: {  	s17 =	sshll.u32 s0, $0xA;
	s2 =	sadd.s32 s3, s2  }
0x8d: {  	s2 =	sadd.s32 s2, s17  }
0x8e: {  	[smem:$0x3FC4] =	sst s2  }
0x8f: {  	_ = 	snop  }
0x90: {  	s2 =	sld [smem:$0x3FC9]  }
0x91: {  	s18 =	sld [smem:$0x3FD0];
	(tm) =	ssettm $0x1  }
0x92: {  	s4 =	sld [smem:$0x3FFB];
	_ =	sdelay $0x3  }
0x93: {  	_ =	strace s4  }
0x94: {  	s4 =	sld [smem:$0x3FFC];
	_ =	sdelay $0x3  }
0x95: {  	_ =	strace s4  }
0x96: {  	s4 =	sld [smem:$0x3FFD];
	_ =	sdelay $0x3  }
0x97: {  	_ =	strace s4  }
0x98: {  	_ =	strace $0x8FFFFFFF  }
0x99: {  	s19 =	sld [smem:$0x3FDB];
	_ =	sdelay $0x1  }
0x9a: {  	s5 =	simm.s32 $_scs_section_size  }
0x9b: {  	s6 =	simm.s32 $_size__tile_overlayer_lowered;
	s7 =	simm.s32 $_tile_overlayer_lowered  }
0x9c: {  	s22 =	simm.s32 $0x1BFF;
	s21 =	sshll.u32 s7, $0x1;
	s4 =	sadd.s32 s5, s19  }
0x9d: {  	s8 =	simm.s32 $0x0;
	s20 =	sshll.u32 s6, $0x1;
	s6 =	sadd.s32 s21, s4  }
0x9e: {  	[timem:s8], [sflag:s22] =	dma.local [hbm:s6], s20  }
0x9f: {  	_ =	swait.ge [sflag:s22], s20  }
0xa0: {  	s5 =	ssub.s32 $0x0, s20;
	[sflag:s22] =	ssyncset.done $0x0  }
0xa1: {  	[sflag:s22] =	ssyncadd.s32 s5;
	_ =	sdelay $0x1  }
0xa2: {  	s23 =	simm.s32 $0x1B8B  }
0xa3: {  	_ =	swait.ge [sflag:s23], $0x1  }
0xa4: {  	[sflag:s23] =	ssyncset.done $0x0  }
0xa5: {  	s25 =	simm.s32 $0x1B8E;
	s24 =	sld [smem:$0x3FFE];
	[sflag:s23] =	ssyncadd.s32 $0xFFFFFFFF  }
0xa6: {  	s26 =	simm.s32 $execute0_lowered;
	[smem:$0x3FD2] =	sst s25  }
0xa7: {  	s6 =	sshll.u32 s26, $0x1;
	_ =	strace $0x80000046;
	[dreg:$0x1] =	wrdreg $0xFFFFFFFF  }
0xa8: {  	s28 =	simm.s32 $_size_execute0_lowered;
	s4 =	sadd.s32 s4, s6;
	[dreg:$0x0] =	wrdreg $0x0  }
0xa9: {  	s6 =	sshll.u32 s28, $0x1;
	[dreg:$0x2] =	wrdreg s4  }
0xaa: {  	[dreg:$0x3] =	wrdreg s6  }
0xab: {  	[dreg:$0x4] =	wrdreg $0xC0  }
0xac: {  	_ =	task [dreg:s8], $0x5FFFF  }
0xad: {  	[dreg:$0x1] =	wrdreg $0xFFFFFFFF  }
0xae: {  	[dreg:$0x0] =	wrdreg $0x60  }
0xaf: {  	[dreg:$0x2] =	wrdreg s24  }
0xb0: {  	[dreg:$0x3] =	wrdreg s2  }
0xb1: {  	[dreg:$0x4] =	wrdreg s18  }
0xb2: {  	[dreg:$0x5] =	wrdreg $0x0  }
0xb3: {  	[dreg:$0x6] =	wrdreg $0x9  }
0xb4: {  	_ =	task.clear_ibuf [dreg:s8], $0x7FFFF;
	_ =	strace $0x90000046  }
0xb5: {  	s29 =	simm.s32 $0x9;
	_ =	strace $0x80000048  }
0xb6: {  	_ =	swait.ge [sflag:s29], $0x1  }
0xb7: {  	[sflag:s29] =	ssyncadd.s32 $0xFFFFFFFF  }
0xb8: {  	_ =	strace $0x90000048  }
0xb9: {  	_ =	sfence  }
0xba: {  	s30 =	sld [smem:$0x0];
	_ =	sdelay $0x2  }
0xbb: {  	s31 =	sshll.u32 s1, $0xD;
	s1 =	sshrl.u32 s1, $0x2  }
0xbc: {  	s3 =	sand.u32 $0x4000, s31;
	s1 =	sadd.s32 s1, s30  }
0xbd: {  	s0 =	sor.u32 s3, s0;
	s1 =	sshll.u32 s1, $0x11  }
0xbe: {  	s0 =	sor.u32 s1, s0  }
0xbf: {  	s0 =	sadd.s32 $0x8F2B, s0  }
0xc0: {  	[sflag:s0] =	ssyncadd.remote.s32 $0x1  }
0xc1: {  	_ =	sfence.sel $0xFFFF  }
0xc2: {  	[dreg:$0x0] =	wrdreg $0xFFFFFFFF;
	(pc) =	sbr.abs _section_cstart, $3  }
0xc3: {  	[dreg:$0x1] =	wrdreg $0xFFFFFFFF  }
0xc4: {  	_ =	task.clear_ibuf [dreg:s8], $0x2FFFF;
	_ =	strace $0x9FFFFFFF  }
0xc5: {  	(tm) =	ssettm $0x7FFFFFFF  }
tec
execute0_lowered:
.L_overlay_start_1:
0x0: {  	(tag) =	ssettag $0x1  }
0x1: {  	s4 =	rddreg [dreg:$0x0]  }
0x2: {  	s5 =	rddreg [dreg:$0x1]  }
0x3: {  	s1 =	rddreg [dreg:$0x2]  }
0x4: {  	s2 =	rddreg [dreg:$0x3];
	s3 =	simm.s32 $0x0  }
0x5: {  	s6 =	srdreg.scid;
	s11 =	stileid.u32;
	s12 =	simm.s32 $0x80  }
0x6: {  	s13 =	simm.s32 $0x400;
	s14 =	simm.s32 $0x1;
	s15 =	simm.s32 $0x100  }
0x7: {  	s17 =	simm.s32 $0x8340;
	s18 =	simm.s32 $0x2040;
	s19 =	simm.s32 $0x10340  }
0x8: {  	s20 =	simm.s32 $0x3;
	s21 =	simm.s32 $0x4;
	s22 =	simm.s32 $0x2140  }
0x9: {  	s23 =	simm.s32 $0x2;
	s24 =	simm.s32 $0x5;
	s25 =	simm.s32 $0x0  }
0xa: {  	[smem:$0x7FF] =	sst s3;
	s6 =	sand.u32 $0x1, s6;
	s4 =	sadd.s32 $0xC00, s4  }
0xb: {  	s9 =	sshll.u32 s11, $0xA;
	s29 =	sshll.u32 s11, $0x11;
	p0 =	sne.s32 s11, $0x0  }
0xc: {  	_ =	strace $0x80000047;
	s7 =	ssub.s32 $0x2, s6;
	s10 =	sshll.u32 s6, $0x9  }
0xd: {  	s6 =	sshll.u32 s6, $0x10;
	s11 =	sshrl.u32 @!p0 s2, $0x3;
	s8 =	sshrl.u32 s7, $0x1  }
0xe: {  	s9 =	sor.u32 s10, s9;
	s10 =	sor.u32 s6, s29;
	s7 =	ssub.s32 s7, s8  }
0xf: {  	s30 =	sshll.u32 s9, $0x4;
	s5 =	sadd.s32 s5, s9;
	s31 =	sor.u32 $0x208000, s10  }
0x10: {  	s10 =	sor.u32 $0x200000, s10;
	s6 =	sadd.s32 s1, s30;
	s9 =	sshrl.u32 s31, $0x3  }
0x11: {  	s7 =	smax.u32 s7, $0x1;
	s8 =	sadd.s32 $0x1000, s6;
	s9 =	sadd.s32 s9, s1  }
.LBB2_1:
0x12: {  	s26 =	simm.s32 @!p0 $0x1C06  }
0x13: {  	[spmem:s11], [sflag:s26] =	dma.local @!p0 [hbm:s4], $0x3E80  }
0x14: {  	s26 =	simm.s32 @!p0 $0x6  }
0x15: {  	s28 =	sand.u32 $0x1C000, s3;
	s29 =	sand.u32 $0x70, s3;
	_ =	swait.ge @!p0 [sflag:s26], $0x3E80  }
0x16: {  	s28 =	sor.u32 s29, s28;
	[sflag:s26] =	ssyncset.done @!p0 $0x0  }
0x17: {  	s31 =	simm.s32 $0x1F40;
	s28 =	sadd.s32 s28, s5;
	[sflag:s26] =	ssyncadd.s32 @!p0 $0xFFFFC180  }
0x18: {  	[tilespmem:s31], [sflag:$0x1] =	stream.strided.gather [hbm4b:s28+s12], $0x200, s13, s12, $0x38;
	[tilespmem:$0x18340] =	vst v63  }
0x19: {  	s26 =	simm.s32 $0x800;
	s28 =	simm.s32 $0x0  }
.LBB2_2:
0x1a: {  	s29 =	sand.u32 $0x1C000, s26;
	p1 =	sne.s32 s26, $0x18800  }
.Ltmp0:
0x1b: {  	s28 =	sadd.s32 $0x10, s28;
	s30 =	smov.u32 s26;
	(pc) =	sbr.rel @p1 .LBB2_2-.Ltmp0, $4  }
0x1c: {  	s26 =	sadd.s32 $0x800, s26;
	s31 =	sand.u32 $0x70, s28  }
0x1d: {  	s30 =	sshra.s32 s30, $0x2;
	s29 =	sor.u32 s31, s29  }
0x1e: {  	s30 =	sadd.s32 $0x1F40, s30;
	s29 =	sadd.s32 s29, s5  }
0x1f: {  	[tilespmem:s30], [sflag:$0x1] =	stream.strided.gather [hbm4b:s29+s12], $0x200, s13, s12, $0x38;
	[tilespmem:$0x18340] =	vst v63  }
0x20: {  	_ =	swait.ge [sflag:s14], $0x200  }
0x21: {  	s26 =	simm.s32 $0x31;
	[sflag:s14] =	ssyncset.done $0x0  }
.LBB2_4:
0x22: {  	p1 =	sne.s32 s26, $0x1;
	s26 =	sadd.s32 $0xFFFFFFFF, s26;
	[sflag:s14] =	ssyncadd.s32 $0xFFFFFE00  }
.Ltmp1:
0x23: {  	(pc) =	sbr.rel @p1 .LBB2_4-.Ltmp1, $3  }
0x24: {  	_ =	sdelay $0x1  }
0x25: {  	_ =	swait.ge [sflag:s14], $0x200  }
0x26: {  	[sflag:s14] =	ssyncset.done $0x0  }
0x27: {  	[sflag:s14] =	ssyncadd.s32 $0xFFFFFE00  }
0x28: {  	s0 =	simm.s32 $0x1F40;
	s26 =	simm.s32 $0x2;
	[bflag:$0x0] =	sbarrier.arrive $0xFFFF  }
0x29: {  	[tilespmem:s17], [sflag:$0x2] =	stream.indirect.gather [spmem:s2], $0x80, s0, s15, $0xb8;
	[tilespmem:$0x18340] =	vst v63  }
0x2a: {  	_ =	swait.ge [sflag:s26], $0x8000  }
0x2b: {  	[sflag:s26] =	ssyncset.done $0x0  }
0x2c: {  	[sflag:s26] =	ssyncadd.s32 $0xFFFF8000  }
0x2d: {  	[tilespmem:s19], [sflag:$0x3] =	stream.indirect.gather [spmem:s2], $0x80, s18, s15, $0xb8;
	[tilespmem:$0x18340] =	vst v63  }
0x2e: {  	_ = 	snop  }
0x2f: {  	[hbm4b:s6+s3] =	stream.linear.scatter [tilespmem:s17], [sflag:$0x4], $0x8000, $0x38;
	[tilespmem:$0x18340] =	vst v63  }
0x30: {  	_ =	swait.ge [sflag:s20], $0x8000  }
0x31: {  	[sflag:s20] =	ssyncset.done $0x0  }
0x32: {  	[sflag:s20] =	ssyncadd.s32 $0xFFFF8000  }
0x33: {  	_ =	swait.ge [sflag:s21], $0x8000  }
0x34: {  	[sflag:s21] =	ssyncset.done $0x0  }
0x35: {  	[sflag:s21] =	ssyncadd.s32 $0xFFFF8000  }
0x36: {  	[tilespmem:s17], [sflag:$0x2] =	stream.indirect.gather [spmem:s2], $0x80, s22, s15, $0xb8;
	[tilespmem:$0x18340] =	vst v63  }
0x37: {  	_ = 	snop  }
0x38: {  	[hbm4b:s8+s3] =	stream.linear.scatter [tilespmem:s19], [sflag:$0x5], $0x8000, $0x38;
	[tilespmem:$0x18340] =	vst v63  }
0x39: {  	_ =	swait.ge [sflag:s23], $0x8000  }
0x3a: {  	[sflag:s23] =	ssyncset.done $0x0  }
0x3b: {  	[sflag:s23] =	ssyncadd.s32 $0xFFFF8000  }
0x3c: {  	_ =	swait.ge [sflag:s24], $0x8000  }
0x3d: {  	[sflag:s24] =	ssyncset.done $0x0  }
0x3e: {  	s28 =	simm.s32 $0x2240;
	s29 =	sshrl.u32 s10, $0x3;
	[sflag:s24] =	ssyncadd.s32 $0xFFFF8000  }
0x3f: {  	[tilespmem:s19], [sflag:$0x3] =	stream.indirect.gather [spmem:s2], $0x80, s28, s15, $0xb8;
	[tilespmem:$0x18340] =	vst v63  }
0x40: {  	s28 =	sadd.s32 s1, s29  }
0x41: {  	[hbm4b:s28+s3] =	stream.linear.scatter [tilespmem:s17], [sflag:$0x4], $0x8000, $0x38;
	[tilespmem:$0x18340] =	vst v63  }
0x42: {  	_ =	swait.ge [sflag:s20], $0x8000  }
0x43: {  	[sflag:s20] =	ssyncset.done $0x0  }
0x44: {  	[sflag:s20] =	ssyncadd.s32 $0xFFFF8000  }
0x45: {  	s26 =	smin.u32 s26, $0x31;
	_ =	swait.ge [sflag:s21], $0x8000  }
0x46: {  	s30 =	simm.s32 $0x2440;
	s26 =	sshll.u32 s26, $0x9;
	[sflag:s21] =	ssyncset.done $0x0  }
0x47: {  	s31 =	smov.u32 s9;
	s26 =	sadd.s32 $0x1F40, s26;
	[sflag:s21] =	ssyncadd.s32 $0xFFFF8000  }
0x48: {  	[tilespmem:s17], [sflag:$0x2] =	stream.indirect.gather [spmem:s2], $0x80, s26, s15, $0xb8;
	[tilespmem:$0x18340] =	vst v63  }
0x49: {  	s29 =	sadd.s32 $0x200000, s10;
	s28 =	sadd.s32 $0x40000, s9;
	s26 =	simm.s32 $0x3  }
.LBB2_6:
0x4a: {  	[hbm4b:s31+s3] =	stream.linear.scatter [tilespmem:s19], [sflag:$0x5], $0x8000, $0x38;
	[tilespmem:$0x18340] =	vst v63  }
0x4b: {  	s0 =	smov.u32 s26;
	s31 =	smov.u32 s28  }
0x4c: {  	p1 =	sne.s32 s26, $0x32;
	s26 =	sadd.s32 $0x1, s26;
	_ =	swait.ge [sflag:s23], $0x8000  }
0x4d: {  	[sflag:s23] =	ssyncset.done $0x0  }
0x4e: {  	[sflag:s23] =	ssyncadd.s32 $0xFFFF8000  }
0x4f: {  	_ =	swait.ge [sflag:s24], $0x8000  }
0x50: {  	[sflag:s24] =	ssyncset.done $0x0  }
0x51: {  	s16 =	sshrl.u32 s29, $0x3;
	[sflag:s24] =	ssyncadd.s32 $0xFFFF8000  }
0x52: {  	[tilespmem:s19], [sflag:$0x3] =	stream.indirect.gather [spmem:s2], $0x80, s30, s15, $0xb8;
	[tilespmem:$0x18340] =	vst v63  }
0x53: {  	s16 =	sadd.s32 s1, s16  }
0x54: {  	[hbm4b:s16+s3] =	stream.linear.scatter [tilespmem:s17], [sflag:$0x4], $0x8000, $0x38;
	[tilespmem:$0x18340] =	vst v63  }
0x55: {  	_ =	swait.ge [sflag:s20], $0x8000  }
0x56: {  	[sflag:s20] =	ssyncset.done $0x0  }
0x57: {  	[sflag:s20] =	ssyncadd.s32 $0xFFFF8000  }
.Ltmp2:
0x58: {  	s0 =	smin.u32 s0, $0x31;
	_ =	swait.ge [sflag:s21], $0x8000;
	(pc) =	sbr.rel @p1 .LBB2_6-.Ltmp2, $4  }
0x59: {  	s0 =	sshll.u32 s0, $0x9;
	[sflag:s21] =	ssyncset.done $0x0  }
0x5a: {  	s0 =	sadd.s32 $0x1F40, s0;
	[sflag:s21] =	ssyncadd.s32 $0xFFFF8000  }
0x5b: {  	[tilespmem:s17], [sflag:$0x2] =	stream.indirect.gather [spmem:s2], $0x80, s0, s15, $0xb8;
	[tilespmem:$0x18340] =	vst v63  }
0x5c: {  	s28 =	sadd.s32 $0x40000, s28;
	s29 =	sadd.s32 $0x200000, s29;
	s30 =	sadd.s32 $0x200, s30  }
0x5d: {  	[hbm4b:s31+s3] =	stream.linear.scatter [tilespmem:s19], [sflag:$0x5], $0x8000, $0x38;
	[tilespmem:$0x18340] =	vst v63  }
0x5e: {  	s25 =	sadd.s32 $0x1, s25  }
0x5f: {  	_ =	swait.ge [sflag:s24], $0x8000;
	p1 =	sne.s32 s25, s7  }
.Ltmp3:
0x60: {  	[sflag:s24] =	ssyncset.done $0x0;
	(pc) =	sbr.rel @p1 .LBB2_1-.Ltmp3, $4  }
0x61: {  	[sflag:s24] =	ssyncadd.s32 $0xFFFF8000  }
0x62: {  	_ =	swait.ge [sflag:s23], $0x8000  }
0x63: {  	[sflag:s23] =	ssyncset.done $0x0  }
0x64: {  	[sflag:s23] =	ssyncadd.s32 $0xFFFF8000  }
0x65: {  	_ =	sfence.sel $0x180000  }
0x66: {  	[bflag:$0x0] =	sbarrier.arrive $0xFFFF  }
0x67: {  	_ =	strace $0x90000047  }
0x68: {  	[bflag:$0x2] =	sbarrier.arrive $0xFFFF  }
0x69: {  	s0 =	rddreg [dreg:$0x4]  }
0x6a: {  	s0 =	sadd.s32 @!p0 $0x100000, s0  }
0x6b: {  	[sflag:s0] =	ssyncadd.tile.s32 @!p0 $0x1;
	_ =	shalt  }
.Lfunc_end2:
_tile_overlayer_lowered:
.L_overlay_start_2:
0x6c: {  	(tag) =	ssettag $0x2  }
0x6d: {  	s0 =	rddreg [dreg:$0x0];
	s2 =	stileid.u32  }
0x6e: {  	s1 =	rddreg [dreg:$0x1];
	p0 =	sne.s32 s2, $0x0  }
0x6f: {  	s3 =	rddreg [dreg:$0x2];
	[bflag:$0x3] =	sbarrier.arrive $0xFFFF;
	s2 =	simm.s32 @!p0 $0x1C06  }
0x70: {  	[timem:s3], [sflag:s2] =	dma.local @!p0 [hbm:s0], s1  }
0x71: {  	s0 =	simm.s32 @!p0 $0x6  }
0x72: {  	_ =	swait.ge @!p0 [sflag:s0], s1  }
0x73: {  	s1 =	ssub.s32 @!p0 $0x0, s1;
	[sflag:s0] =	ssyncset.done @!p0 $0x0  }
0x74: {  	[sflag:s0] =	ssyncadd.s32 @!p0 s1  }
0x75: {  	[bflag:$0x3] =	sbarrier.arrive $0xFFFF  }
0x76: {  	_ =	shalt  }

</sc_bundles>
